<compile_context>
chip_gen: v7x
topology: tpu7x:2x2x1
jax: 0.10.2.dev20260603
libtpu: 0.0.44.dev20260713+nightly
codegen_flags: <defaults>
</compile_context>

<pallas_src>
import functools

import jax
import jax.numpy as jnp
import numpy as np
from jax.experimental import pallas as pl
from jax.experimental.pallas import tpu as pltpu

_TIME_STEPS = 1000
_BETA_START = 0.0001
_BETA_END = 0.02

_betas = np.linspace(_BETA_START, _BETA_END, _TIME_STEPS, dtype=np.float64)
_alphas_cumprod = np.cumprod(1.0 - _betas)
_TABLE = np.concatenate(
    [np.sqrt(_alphas_cumprod), np.sqrt(1.0 - _alphas_cumprod)]
).astype(np.float32)

_BB = 16


def _fma_body(time_ref, tab_ref, x_ref, n_ref, o_ref):
    g = pl.program_id(0)
    for i in range(_BB):
        t = time_ref[g * _BB + i]
        a = tab_ref[t]
        c = tab_ref[_TIME_STEPS + t]
        o_ref[i] = a * x_ref[i] + c * n_ref[i]


@jax.jit
def kernel(x, time, noise):
    b, ch, h, w = x.shape
    rows = ch * h * w
    x3 = x.reshape(b, rows)
    n3 = noise.reshape(b, rows)
    tab = jnp.asarray(_TABLE)

    grid = b // _BB
    spec = pl.BlockSpec((_BB, rows), lambda g, *_: (g, 0))
    out = pl.pallas_call(
        _fma_body,
        grid_spec=pltpu.PrefetchScalarGridSpec(
            num_scalar_prefetch=2,
            grid=(grid,),
            in_specs=[spec, spec],
            out_specs=spec,
        ),
        compiler_params=pltpu.CompilerParams(
            dimension_semantics=("parallel",),
        ),
        out_shape=jax.ShapeDtypeStruct((b, rows), jnp.float32),
    )(time, tab, x3, n3)
    return out.reshape(x.shape)

# --- scband reference (transcript-rebuilt; emitter-appended) ---
"""Pipeline reference for scband-diffusion-41755672052171 (READ-ONLY COPY).

The authoritative reference and input builder live on the scoring server;
editing this copy changes nothing except your own understanding.
"""

import jax, jax.numpy as jnp
import numpy as np

TIME_STEPS = 1000
BETA_START = 0.0001
BETA_END = 0.02


def setup_inputs(seed: int = 0) -> dict:
    key = jax.random.key(seed)
    k1, k2, k3 = jax.random.split(key, 3)
    x = jax.random.normal(k1, (256, 3, 128, 128), dtype=jnp.float32)
    noise = jax.random.normal(k2, (256, 3, 128, 128), dtype=jnp.float32)
    time = jax.random.randint(k3, (256,), 0, TIME_STEPS, dtype=jnp.int32)
    return {"x": x, "time": time, "noise": noise}


def _extract(data, batch_t, shape):
    batch_size = batch_t.shape[0]
    out = jnp.take(data, batch_t, axis=-1)
    return out.reshape((batch_size,) + (1,) * (len(shape) - 1))


def reference(x, time, noise):
    # Recreate the precomputed schedule buffers from __init__
    betas = jnp.linspace(BETA_START, BETA_END, TIME_STEPS).astype(jnp.float32)
    alphas = 1.0 - betas
    alphas_cumprod = jnp.cumprod(alphas, axis=0)
    sqrt_alphas_cumprod = jnp.sqrt(alphas_cumprod)
    sqrt_one_minus_alphas_cumprod = jnp.sqrt(1.0 - alphas_cumprod)
    # q_sample
    sqrt_alphas_cumprod_t = _extract(sqrt_alphas_cumprod, time, x.shape)
    sqrt_one_minus_alphas_cumprod_t = _extract(sqrt_one_minus_alphas_cumprod, time, x.shape)
    x_noise = sqrt_alphas_cumprod_t * x + sqrt_one_minus_alphas_cumprod_t * noise
    return x_noise

if __name__ == "__main__":
    import jax
    _d = setup_inputs()
    print(jax.jit(kernel)(*tuple(_d.values())))

</pallas_src>

<mosaic_0001>
module attributes {stable_mosaic.version = 14 : i64} {
  func.func @_fma_body(%arg0: i32, %arg1: memref<256xi32, #tpu.memory_space<smem>>, %arg2: memref<2000xf32, #tpu.memory_space<smem>>, %arg3: memref<16x49152xf32, #tpu.memory_space<vmem>>, %arg4: memref<16x49152xf32, #tpu.memory_space<vmem>>, %arg5: memref<16x49152xf32, #tpu.memory_space<vmem>>) attributes {dimension_semantics = [#tpu.dimension_semantics<parallel>], iteration_bounds = array<i64: 16>, scalar_prefetch = 2 : i64, scratch_operands = 0 : i64, tpu.core_type = #tpu.core_type<tc>, window_params = [{transform_indices = @transform_0, window_bounds = array<i64: 16, 49152>}, {transform_indices = @transform_1, window_bounds = array<i64: 16, 49152>}, {transform_indices = @transform_2, window_bounds = array<i64: 16, 49152>}]} {
    %mul3A = arith.constant 16 : i32
    %mul3A_0 = arith.muli %arg0, %mul3A : i32
    %add3A = arith.constant 0 : i32
    %add3A_1 = arith.addi %mul3A_0, %add3A : i32
    %get3A = arith.index_cast %add3A_1 : i32 to index
    %get3A_2 = memref.load %arg1[%get3A] : memref<256xi32, #tpu.memory_space<smem>>
    %get3A_3 = arith.index_cast %get3A_2 : i32 to index
    %get3A_4 = memref.load %arg2[%get3A_3] : memref<2000xf32, #tpu.memory_space<smem>>
    %add3A_5 = arith.constant 1000 : i32
    %add3A_6 = arith.addi %add3A_5, %get3A_2 : i32
    %get3A_7 = arith.index_cast %add3A_6 : i32 to index
    %get3A_8 = memref.load %arg2[%get3A_7] : memref<2000xf32, #tpu.memory_space<smem>>
    %get3A_9 = arith.constant 0 : index
    %get3A_10 = arith.constant 0 : index
    %get3A_11 = vector.load %arg3[%get3A_9, %get3A_10] : memref<16x49152xf32, #tpu.memory_space<vmem>>, vector<1x49152xf32>
    %get3A_12 = vector.shape_cast %get3A_11 : vector<1x49152xf32> to vector<49152xf32>
    %mul3A_13 = vector.broadcast %get3A_4 : f32 to vector<49152xf32>
    %mul3A_14 = arith.mulf %mul3A_13, %get3A_12 : vector<49152xf32>
    %get3A_15 = arith.constant 0 : index
    %get3A_16 = arith.constant 0 : index
    %get3A_17 = vector.load %arg4[%get3A_15, %get3A_16] : memref<16x49152xf32, #tpu.memory_space<vmem>>, vector<1x49152xf32>
    %get3A_18 = vector.shape_cast %get3A_17 : vector<1x49152xf32> to vector<49152xf32>
    %mul3A_19 = vector.broadcast %get3A_8 : f32 to vector<49152xf32>
    %mul3A_20 = arith.mulf %mul3A_19, %get3A_18 : vector<49152xf32>
    %add3A_21 = arith.addf %mul3A_14, %mul3A_20 : vector<49152xf32>
    %swap3A = arith.constant 0 : index
    %swap3A_22 = arith.constant 0 : index
    %swap3A_23 = vector.load %arg5[%swap3A, %swap3A_22] : memref<16x49152xf32, #tpu.memory_space<vmem>>, vector<1x49152xf32>
    %swap3A_24 = vector.shape_cast %swap3A_23 : vector<1x49152xf32> to vector<49152xf32>
    %swap3A_25 = vector.shape_cast %add3A_21 : vector<49152xf32> to vector<1x49152xf32>
    tpu.vector_store %arg5[%swap3A, %swap3A_22], %swap3A_25 {strides = array<i32>} : memref<16x49152xf32, #tpu.memory_space<vmem>>, vector<1x49152xf32>,
    %mul3A_26 = arith.constant 16 : i32
    %mul3A_27 = arith.muli %arg0, %mul3A_26 : i32
    %add3A_28 = arith.constant 1 : i32
    %add3A_29 = arith.addi %mul3A_27, %add3A_28 : i32
    %get3A_30 = arith.index_cast %add3A_29 : i32 to index
    %get3A_31 = memref.load %arg1[%get3A_30] : memref<256xi32, #tpu.memory_space<smem>>
    %get3A_32 = arith.index_cast %get3A_31 : i32 to index
    %get3A_33 = memref.load %arg2[%get3A_32] : memref<2000xf32, #tpu.memory_space<smem>>
    %add3A_34 = arith.constant 1000 : i32
    %add3A_35 = arith.addi %add3A_34, %get3A_31 : i32
    %get3A_36 = arith.index_cast %add3A_35 : i32 to index
    %get3A_37 = memref.load %arg2[%get3A_36] : memref<2000xf32, #tpu.memory_space<smem>>
    %get3A_38 = arith.constant 1 : index
    %get3A_39 = arith.constant 0 : index
    %get3A_40 = vector.load %arg3[%get3A_38, %get3A_39] : memref<16x49152xf32, #tpu.memory_space<vmem>>, vector<1x49152xf32>
    %get3A_41 = vector.shape_cast %get3A_40 : vector<1x49152xf32> to vector<49152xf32>
    %mul3A_42 = vector.broadcast %get3A_33 : f32 to vector<49152xf32>
    %mul3A_43 = arith.mulf %mul3A_42, %get3A_41 : vector<49152xf32>
    %get3A_44 = arith.constant 1 : index
    %get3A_45 = arith.constant 0 : index
    %get3A_46 = vector.load %arg4[%get3A_44, %get3A_45] : memref<16x49152xf32, #tpu.memory_space<vmem>>, vector<1x49152xf32>
    %get3A_47 = vector.shape_cast %get3A_46 : vector<1x49152xf32> to vector<49152xf32>
    %mul3A_48 = vector.broadcast %get3A_37 : f32 to vector<49152xf32>
    %mul3A_49 = arith.mulf %mul3A_48, %get3A_47 : vector<49152xf32>
    %add3A_50 = arith.addf %mul3A_43, %mul3A_49 : vector<49152xf32>
    %swap3A_51 = arith.constant 1 : index
    %swap3A_52 = arith.constant 0 : index
    %swap3A_53 = vector.load %arg5[%swap3A_51, %swap3A_52] : memref<16x49152xf32, #tpu.memory_space<vmem>>, vector<1x49152xf32>
    %swap3A_54 = vector.shape_cast %swap3A_53 : vector<1x49152xf32> to vector<49152xf32>
    %swap3A_55 = vector.shape_cast %add3A_50 : vector<49152xf32> to vector<1x49152xf32>
    tpu.vector_store %arg5[%swap3A_51, %swap3A_52], %swap3A_55 {strides = array<i32>} : memref<16x49152xf32, #tpu.memory_space<vmem>>, vector<1x49152xf32>,
    %mul3A_56 = arith.constant 16 : i32
    %mul3A_57 = arith.muli %arg0, %mul3A_56 : i32
    %add3A_58 = arith.constant 2 : i32
    %add3A_59 = arith.addi %mul3A_57, %add3A_58 : i32
    %get3A_60 = arith.index_cast %add3A_59 : i32 to index
    %get3A_61 = memref.load %arg1[%get3A_60] : memref<256xi32, #tpu.memory_space<smem>>
    %get3A_62 = arith.index_cast %get3A_61 : i32 to index
    %get3A_63 = memref.load %arg2[%get3A_62] : memref<2000xf32, #tpu.memory_space<smem>>
    %add3A_64 = arith.constant 1000 : i32
    %add3A_65 = arith.addi %add3A_64, %get3A_61 : i32
    %get3A_66 = arith.index_cast %add3A_65 : i32 to index
    %get3A_67 = memref.load %arg2[%get3A_66] : memref<2000xf32, #tpu.memory_space<smem>>
    %get3A_68 = arith.constant 2 : index
    %get3A_69 = arith.constant 0 : index
    %get3A_70 = vector.load %arg3[%get3A_68, %get3A_69] : memref<16x49152xf32, #tpu.memory_space<vmem>>, vector<1x49152xf32>
    %get3A_71 = vector.shape_cast %get3A_70 : vector<1x49152xf32> to vector<49152xf32>
    %mul3A_72 = vector.broadcast %get3A_63 : f32 to vector<49152xf32>
    %mul3A_73 = arith.mulf %mul3A_72, %get3A_71 : vector<49152xf32>
    %get3A_74 = arith.constant 2 : index
    %get3A_75 = arith.constant 0 : index
    %get3A_76 = vector.load %arg4[%get3A_74, %get3A_75] : memref<16x49152xf32, #tpu.memory_space<vmem>>, vector<1x49152xf32>
    %get3A_77 = vector.shape_cast %get3A_76 : vector<1x49152xf32> to vector<49152xf32>
    %mul3A_78 = vector.broadcast %get3A_67 : f32 to vector<49152xf32>
    %mul3A_79 = arith.mulf %mul3A_78, %get3A_77 : vector<49152xf32>
    %add3A_80 = arith.addf %mul3A_73, %mul3A_79 : vector<49152xf32>
    %swap3A_81 = arith.constant 2 : index
    %swap3A_82 = arith.constant 0 : index
    %swap3A_83 = vector.load %arg5[%swap3A_81, %swap3A_82] : memref<16x49152xf32, #tpu.memory_space<vmem>>, vector<1x49152xf32>
    %swap3A_84 = vector.shape_cast %swap3A_83 : vector<1x49152xf32> to vector<49152xf32>
    %swap3A_85 = vector.shape_cast %add3A_80 : vector<49152xf32> to vector<1x49152xf32>
    tpu.vector_store %arg5[%swap3A_81, %swap3A_82], %swap3A_85 {strides = array<i32>} : memref<16x49152xf32, #tpu.memory_space<vmem>>, vector<1x49152xf32>,
    %mul3A_86 = arith.constant 16 : i32
    %mul3A_87 = arith.muli %arg0, %mul3A_86 : i32
    %add3A_88 = arith.constant 3 : i32
    %add3A_89 = arith.addi %mul3A_87, %add3A_88 : i32
    %get3A_90 = arith.index_cast %add3A_89 : i32 to index
    %get3A_91 = memref.load %arg1[%get3A_90] : memref<256xi32, #tpu.memory_space<smem>>
    %get3A_92 = arith.index_cast %get3A_91 : i32 to index
    %get3A_93 = memref.load %arg2[%get3A_92] : memref<2000xf32, #tpu.memory_space<smem>>
    %add3A_94 = arith.constant 1000 : i32
    %add3A_95 = arith.addi %add3A_94, %get3A_91 : i32
    %get3A_96 = arith.index_cast %add3A_95 : i32 to index
    %get3A_97 = memref.load %arg2[%get3A_96] : memref<2000xf32, #tpu.memory_space<smem>>
    %get3A_98 = arith.constant 3 : index
    %get3A_99 = arith.constant 0 : index
    %get3A_100 = vector.load %arg3[%get3A_98, %get3A_99] : memref<16x49152xf32, #tpu.memory_space<vmem>>, vector<1x49152xf32>
    %get3A_101 = vector.shape_cast %get3A_100 : vector<1x49152xf32> to vector<49152xf32>
    %mul3A_102 = vector.broadcast %get3A_93 : f32 to vector<49152xf32>
    %mul3A_103 = arith.mulf %mul3A_102, %get3A_101 : vector<49152xf32>
    %get3A_104 = arith.constant 3 : index
    %get3A_105 = arith.constant 0 : index
    %get3A_106 = vector.load %arg4[%get3A_104, %get3A_105] : memref<16x49152xf32, #tpu.memory_space<vmem>>, vector<1x49152xf32>
    %get3A_107 = vector.shape_cast %get3A_106 : vector<1x49152xf32> to vector<49152xf32>
    %mul3A_108 = vector.broadcast %get3A_97 : f32 to vector<49152xf32>
    %mul3A_109 = arith.mulf %mul3A_108, %get3A_107 : vector<49152xf32>
    %add3A_110 = arith.addf %mul3A_103, %mul3A_109 : vector<49152xf32>
    %swap3A_111 = arith.constant 3 : index
    %swap3A_112 = arith.constant 0 : index
    %swap3A_113 = vector.load %arg5[%swap3A_111, %swap3A_112] : memref<16x49152xf32, #tpu.memory_space<vmem>>, vector<1x49152xf32>
    %swap3A_114 = vector.shape_cast %swap3A_113 : vector<1x49152xf32> to vector<49152xf32>
    %swap3A_115 = vector.shape_cast %add3A_110 : vector<49152xf32> to vector<1x49152xf32>
    tpu.vector_store %arg5[%swap3A_111, %swap3A_112], %swap3A_115 {strides = array<i32>} : memref<16x49152xf32, #tpu.memory_space<vmem>>, vector<1x49152xf32>,
    %mul3A_116 = arith.constant 16 : i32
    %mul3A_117 = arith.muli %arg0, %mul3A_116 : i32
    %add3A_118 = arith.constant 4 : i32
    %add3A_119 = arith.addi %mul3A_117, %add3A_118 : i32
    %get3A_120 = arith.index_cast %add3A_119 : i32 to index
    %get3A_121 = memref.load %arg1[%get3A_120] : memref<256xi32, #tpu.memory_space<smem>>
    %get3A_122 = arith.index_cast %get3A_121 : i32 to index
    %get3A_123 = memref.load %arg2[%get3A_122] : memref<2000xf32, #tpu.memory_space<smem>>
    %add3A_124 = arith.constant 1000 : i32
    %add3A_125 = arith.addi %add3A_124, %get3A_121 : i32
    %get3A_126 = arith.index_cast %add3A_125 : i32 to index
    %get3A_127 = memref.load %arg2[%get3A_126] : memref<2000xf32, #tpu.memory_space<smem>>
    %get3A_128 = arith.constant 4 : index
    %get3A_129 = arith.constant 0 : index
    %get3A_130 = vector.load %arg3[%get3A_128, %get3A_129] : memref<16x49152xf32, #tpu.memory_space<vmem>>, vector<1x49152xf32>
    %get3A_131 = vector.shape_cast %get3A_130 : vector<1x49152xf32> to vector<49152xf32>
    %mul3A_132 = vector.broadcast %get3A_123 : f32 to vector<49152xf32>
    %mul3A_133 = arith.mulf %mul3A_132, %get3A_131 : vector<49152xf32>
    %get3A_134 = arith.constant 4 : index
    %get3A_135 = arith.constant 0 : index
    %get3A_136 = vector.load %arg4[%get3A_134, %get3A_135] : memref<16x49152xf32, #tpu.memory_space<vmem>>, vector<1x49152xf32>
    %get3A_137 = vector.shape_cast %get3A_136 : vector<1x49152xf32> to vector<49152xf32>
    %mul3A_138 = vector.broadcast %get3A_127 : f32 to vector<49152xf32>
    %mul3A_139 = arith.mulf %mul3A_138, %get3A_137 : vector<49152xf32>
    %add3A_140 = arith.addf %mul3A_133, %mul3A_139 : vector<49152xf32>
    %swap3A_141 = arith.constant 4 : index
    %swap3A_142 = arith.constant 0 : index
    %swap3A_143 = vector.load %arg5[%swap3A_141, %swap3A_142] : memref<16x49152xf32, #tpu.memory_space<vmem>>, vector<1x49152xf32>
    %swap3A_144 = vector.shape_cast %swap3A_143 : vector<1x49152xf32> to vector<49152xf32>
    %swap3A_145 = vector.shape_cast %add3A_140 : vector<49152xf32> to vector<1x49152xf32>
    tpu.vector_store %arg5[%swap3A_141, %swap3A_142], %swap3A_145 {strides = array<i32>} : memref<16x49152xf32, #tpu.memory_space<vmem>>, vector<1x49152xf32>,
    %mul3A_146 = arith.constant 16 : i32
    %mul3A_147 = arith.muli %arg0, %mul3A_146 : i32
    %add3A_148 = arith.constant 5 : i32
    %add3A_149 = arith.addi %mul3A_147, %add3A_148 : i32
    %get3A_150 = arith.index_cast %add3A_149 : i32 to index
    %get3A_151 = memref.load %arg1[%get3A_150] : memref<256xi32, #tpu.memory_space<smem>>
    %get3A_152 = arith.index_cast %get3A_151 : i32 to index
    %get3A_153 = memref.load %arg2[%get3A_152] : memref<2000xf32, #tpu.memory_space<smem>>
    %add3A_154 = arith.constant 1000 : i32
    %add3A_155 = arith.addi %add3A_154, %get3A_151 : i32
    %get3A_156 = arith.index_cast %add3A_155 : i32 to index
    %get3A_157 = memref.load %arg2[%get3A_156] : memref<2000xf32, #tpu.memory_space<smem>>
    %get3A_158 = arith.constant 5 : index
    %get3A_159 = arith.constant 0 : index
    %get3A_160 = vector.load %arg3[%get3A_158, %get3A_159] : memref<16x49152xf32, #tpu.memory_space<vmem>>, vector<1x49152xf32>
    %get3A_161 = vector.shape_cast %get3A_160 : vector<1x49152xf32> to vector<49152xf32>
    %mul3A_162 = vector.broadcast %get3A_153 : f32 to vector<49152xf32>
    %mul3A_163 = arith.mulf %mul3A_162, %get3A_161 : vector<49152xf32>
    %get3A_164 = arith.constant 5 : index
    %get3A_165 = arith.constant 0 : index
    %get3A_166 = vector.load %arg4[%get3A_164, %get3A_165] : memref<16x49152xf32, #tpu.memory_space<vmem>>, vector<1x49152xf32>
    %get3A_167 = vector.shape_cast %get3A_166 : vector<1x49152xf32> to vector<49152xf32>
    %mul3A_168 = vector.broadcast %get3A_157 : f32 to vector<49152xf32>
    %mul3A_169 = arith.mulf %mul3A_168, %get3A_167 : vector<49152xf32>
    %add3A_170 = arith.addf %mul3A_163, %mul3A_169 : vector<49152xf32>
    %swap3A_171 = arith.constant 5 : index
    %swap3A_172 = arith.constant 0 : index
    %swap3A_173 = vector.load %arg5[%swap3A_171, %swap3A_172] : memref<16x49152xf32, #tpu.memory_space<vmem>>, vector<1x49152xf32>
    %swap3A_174 = vector.shape_cast %swap3A_173 : vector<1x49152xf32> to vector<49152xf32>
    %swap3A_175 = vector.shape_cast %add3A_170 : vector<49152xf32> to vector<1x49152xf32>
    tpu.vector_store %arg5[%swap3A_171, %swap3A_172], %swap3A_175 {strides = array<i32>} : memref<16x49152xf32, #tpu.memory_space<vmem>>, vector<1x49152xf32>,
    %mul3A_176 = arith.constant 16 : i32
    %mul3A_177 = arith.muli %arg0, %mul3A_176 : i32
    %add3A_178 = arith.constant 6 : i32
    %add3A_179 = arith.addi %mul3A_177, %add3A_178 : i32
    %get3A_180 = arith.index_cast %add3A_179 : i32 to index
    %get3A_181 = memref.load %arg1[%get3A_180] : memref<256xi32, #tpu.memory_space<smem>>
    %get3A_182 = arith.index_cast %get3A_181 : i32 to index
    %get3A_183 = memref.load %arg2[%get3A_182] : memref<2000xf32, #tpu.memory_space<smem>>
    %add3A_184 = arith.constant 1000 : i32
    %add3A_185 = arith.addi %add3A_184, %get3A_181 : i32
    %get3A_186 = arith.index_cast %add3A_185 : i32 to index
    %get3A_187 = memref.load %arg2[%get3A_186] : memref<2000xf32, #tpu.memory_space<smem>>
    %get3A_188 = arith.constant 6 : index
    %get3A_189 = arith.constant 0 : index
    %get3A_190 = vector.load %arg3[%get3A_188, %get3A_189] : memref<16x49152xf32, #tpu.memory_space<vmem>>, vector<1x49152xf32>
    %get3A_191 = vector.shape_cast %get3A_190 : vector<1x49152xf32> to vector<49152xf32>
    %mul3A_192 = vector.broadcast %get3A_183 : f32 to vector<49152xf32>
    %mul3A_193 = arith.mulf %mul3A_192, %get3A_191 : vector<49152xf32>
    %get3A_194 = arith.constant 6 : index
    %get3A_195 = arith.constant 0 : index
    %get3A_196 = vector.load %arg4[%get3A_194, %get3A_195] : memref<16x49152xf32, #tpu.memory_space<vmem>>, vector<1x49152xf32>
    %get3A_197 = vector.shape_cast %get3A_196 : vector<1x49152xf32> to vector<49152xf32>
    %mul3A_198 = vector.broadcast %get3A_187 : f32 to vector<49152xf32>
    %mul3A_199 = arith.mulf %mul3A_198, %get3A_197 : vector<49152xf32>
    %add3A_200 = arith.addf %mul3A_193, %mul3A_199 : vector<49152xf32>
    %swap3A_201 = arith.constant 6 : index
    %swap3A_202 = arith.constant 0 : index
    %swap3A_203 = vector.load %arg5[%swap3A_201, %swap3A_202] : memref<16x49152xf32, #tpu.memory_space<vmem>>, vector<1x49152xf32>
    %swap3A_204 = vector.shape_cast %swap3A_203 : vector<1x49152xf32> to vector<49152xf32>
    %swap3A_205 = vector.shape_cast %add3A_200 : vector<49152xf32> to vector<1x49152xf32>
    tpu.vector_store %arg5[%swap3A_201, %swap3A_202], %swap3A_205 {strides = array<i32>} : memref<16x49152xf32, #tpu.memory_space<vmem>>, vector<1x49152xf32>,
    %mul3A_206 = arith.constant 16 : i32
    %mul3A_207 = arith.muli %arg0, %mul3A_206 : i32
    %add3A_208 = arith.constant 7 : i32
    %add3A_209 = arith.addi %mul3A_207, %add3A_208 : i32
    %get3A_210 = arith.index_cast %add3A_209 : i32 to index
    %get3A_211 = memref.load %arg1[%get3A_210] : memref<256xi32, #tpu.memory_space<smem>>
    %get3A_212 = arith.index_cast %get3A_211 : i32 to index
    %get3A_213 = memref.load %arg2[%get3A_212] : memref<2000xf32, #tpu.memory_space<smem>>
    %add3A_214 = arith.constant 1000 : i32
    %add3A_215 = arith.addi %add3A_214, %get3A_211 : i32
    %get3A_216 = arith.index_cast %add3A_215 : i32 to index
    %get3A_217 = memref.load %arg2[%get3A_216] : memref<2000xf32, #tpu.memory_space<smem>>
    %get3A_218 = arith.constant 7 : index
    %get3A_219 = arith.constant 0 : index
    %get3A_220 = vector.load %arg3[%get3A_218, %get3A_219] : memref<16x49152xf32, #tpu.memory_space<vmem>>, vector<1x49152xf32>
    %get3A_221 = vector.shape_cast %get3A_220 : vector<1x49152xf32> to vector<49152xf32>
    %mul3A_222 = vector.broadcast %get3A_213 : f32 to vector<49152xf32>
    %mul3A_223 = arith.mulf %mul3A_222, %get3A_221 : vector<49152xf32>
    %get3A_224 = arith.constant 7 : index
    %get3A_225 = arith.constant 0 : index
    %get3A_226 = vector.load %arg4[%get3A_224, %get3A_225] : memref<16x49152xf32, #tpu.memory_space<vmem>>, vector<1x49152xf32>
    %get3A_227 = vector.shape_cast %get3A_226 : vector<1x49152xf32> to vector<49152xf32>
    %mul3A_228 = vector.broadcast %get3A_217 : f32 to vector<49152xf32>
    %mul3A_229 = arith.mulf %mul3A_228, %get3A_227 : vector<49152xf32>
    %add3A_230 = arith.addf %mul3A_223, %mul3A_229 : vector<49152xf32>
    %swap3A_231 = arith.constant 7 : index
    %swap3A_232 = arith.constant 0 : index
    %swap3A_233 = vector.load %arg5[%swap3A_231, %swap3A_232] : memref<16x49152xf32, #tpu.memory_space<vmem>>, vector<1x49152xf32>
    %swap3A_234 = vector.shape_cast %swap3A_233 : vector<1x49152xf32> to vector<49152xf32>
    %swap3A_235 = vector.shape_cast %add3A_230 : vector<49152xf32> to vector<1x49152xf32>
    tpu.vector_store %arg5[%swap3A_231, %swap3A_232], %swap3A_235 {strides = array<i32>} : memref<16x49152xf32, #tpu.memory_space<vmem>>, vector<1x49152xf32>,
    %mul3A_236 = arith.constant 16 : i32
    %mul3A_237 = arith.muli %arg0, %mul3A_236 : i32
    %add3A_238 = arith.constant 8 : i32
    %add3A_239 = arith.addi %mul3A_237, %add3A_238 : i32
    %get3A_240 = arith.index_cast %add3A_239 : i32 to index
    %get3A_241 = memref.load %arg1[%get3A_240] : memref<256xi32, #tpu.memory_space<smem>>
    %get3A_242 = arith.index_cast %get3A_241 : i32 to index
    %get3A_243 = memref.load %arg2[%get3A_242] : memref<2000xf32, #tpu.memory_space<smem>>
    %add3A_244 = arith.constant 1000 : i32
    %add3A_245 = arith.addi %add3A_244, %get3A_241 : i32
    %get3A_246 = arith.index_cast %add3A_245 : i32 to index
    %get3A_247 = memref.load %arg2[%get3A_246] : memref<2000xf32, #tpu.memory_space<smem>>
    %get3A_248 = arith.constant 8 : index
    %get3A_249 = arith.constant 0 : index
    %get3A_250 = vector.load %arg3[%get3A_248, %get3A_249] : memref<16x49152xf32, #tpu.memory_space<vmem>>, vector<1x49152xf32>
    %get3A_251 = vector.shape_cast %get3A_250 : vector<1x49152xf32> to vector<49152xf32>
    %mul3A_252 = vector.broadcast %get3A_243 : f32 to vector<49152xf32>
    %mul3A_253 = arith.mulf %mul3A_252, %get3A_251 : vector<49152xf32>
    %get3A_254 = arith.constant 8 : index
    %get3A_255 = arith.constant 0 : index
    %get3A_256 = vector.load %arg4[%get3A_254, %get3A_255] : memref<16x49152xf32, #tpu.memory_space<vmem>>, vector<1x49152xf32>
    %get3A_257 = vector.shape_cast %get3A_256 : vector<1x49152xf32> to vector<49152xf32>
    %mul3A_258 = vector.broadcast %get3A_247 : f32 to vector<49152xf32>
    %mul3A_259 = arith.mulf %mul3A_258, %get3A_257 : vector<49152xf32>
    %add3A_260 = arith.addf %mul3A_253, %mul3A_259 : vector<49152xf32>
    %swap3A_261 = arith.constant 8 : index
    %swap3A_262 = arith.constant 0 : index
    %swap3A_263 = vector.load %arg5[%swap3A_261, %swap3A_262] : memref<16x49152xf32, #tpu.memory_space<vmem>>, vector<1x49152xf32>
    %swap3A_264 = vector.shape_cast %swap3A_263 : vector<1x49152xf32> to vector<49152xf32>
    %swap3A_265 = vector.shape_cast %add3A_260 : vector<49152xf32> to vector<1x49152xf32>
    tpu.vector_store %arg5[%swap3A_261, %swap3A_262], %swap3A_265 {strides = array<i32>} : memref<16x49152xf32, #tpu.memory_space<vmem>>, vector<1x49152xf32>,
    %mul3A_266 = arith.constant 16 : i32
    %mul3A_267 = arith.muli %arg0, %mul3A_266 : i32
    %add3A_268 = arith.constant 9 : i32
    %add3A_269 = arith.addi %mul3A_267, %add3A_268 : i32
    %get3A_270 = arith.index_cast %add3A_269 : i32 to index
    %get3A_271 = memref.load %arg1[%get3A_270] : memref<256xi32, #tpu.memory_space<smem>>
    %get3A_272 = arith.index_cast %get3A_271 : i32 to index
    %get3A_273 = memref.load %arg2[%get3A_272] : memref<2000xf32, #tpu.memory_space<smem>>
    %add3A_274 = arith.constant 1000 : i32
    %add3A_275 = arith.addi %add3A_274, %get3A_271 : i32
    %get3A_276 = arith.index_cast %add3A_275 : i32 to index
    %get3A_277 = memref.load %arg2[%get3A_276] : memref<2000xf32, #tpu.memory_space<smem>>
    %get3A_278 = arith.constant 9 : index
    %get3A_279 = arith.constant 0 : index
    %get3A_280 = vector.load %arg3[%get3A_278, %get3A_279] : memref<16x49152xf32, #tpu.memory_space<vmem>>, vector<1x49152xf32>
    %get3A_281 = vector.shape_cast %get3A_280 : vector<1x49152xf32> to vector<49152xf32>
    %mul3A_282 = vector.broadcast %get3A_273 : f32 to vector<49152xf32>
    %mul3A_283 = arith.mulf %mul3A_282, %get3A_281 : vector<49152xf32>
    %get3A_284 = arith.constant 9 : index
    %get3A_285 = arith.constant 0 : index
    %get3A_286 = vector.load %arg4[%get3A_284, %get3A_285] : memref<16x49152xf32, #tpu.memory_space<vmem>>, vector<1x49152xf32>
    %get3A_287 = vector.shape_cast %get3A_286 : vector<1x49152xf32> to vector<49152xf32>
    %mul3A_288 = vector.broadcast %get3A_277 : f32 to vector<49152xf32>
    %mul3A_289 = arith.mulf %mul3A_288, %get3A_287 : vector<49152xf32>
    %add3A_290 = arith.addf %mul3A_283, %mul3A_289 : vector<49152xf32>
    %swap3A_291 = arith.constant 9 : index
    %swap3A_292 = arith.constant 0 : index
    %swap3A_293 = vector.load %arg5[%swap3A_291, %swap3A_292] : memref<16x49152xf32, #tpu.memory_space<vmem>>, vector<1x49152xf32>
    %swap3A_294 = vector.shape_cast %swap3A_293 : vector<1x49152xf32> to vector<49152xf32>
    %swap3A_295 = vector.shape_cast %add3A_290 : vector<49152xf32> to vector<1x49152xf32>
    tpu.vector_store %arg5[%swap3A_291, %swap3A_292], %swap3A_295 {strides = array<i32>} : memref<16x49152xf32, #tpu.memory_space<vmem>>, vector<1x49152xf32>,
    %mul3A_296 = arith.constant 16 : i32
    %mul3A_297 = arith.muli %arg0, %mul3A_296 : i32
    %add3A_298 = arith.constant 10 : i32
    %add3A_299 = arith.addi %mul3A_297, %add3A_298 : i32
    %get3A_300 = arith.index_cast %add3A_299 : i32 to index
    %get3A_301 = memref.load %arg1[%get3A_300] : memref<256xi32, #tpu.memory_space<smem>>
    %get3A_302 = arith.index_cast %get3A_301 : i32 to index
    %get3A_303 = memref.load %arg2[%get3A_302] : memref<2000xf32, #tpu.memory_space<smem>>
    %add3A_304 = arith.constant 1000 : i32
    %add3A_305 = arith.addi %add3A_304, %get3A_301 : i32
    %get3A_306 = arith.index_cast %add3A_305 : i32 to index
    %get3A_307 = memref.load %arg2[%get3A_306] : memref<2000xf32, #tpu.memory_space<smem>>
    %get3A_308 = arith.constant 10 : index
    %get3A_309 = arith.constant 0 : index
    %get3A_310 = vector.load %arg3[%get3A_308, %get3A_309] : memref<16x49152xf32, #tpu.memory_space<vmem>>, vector<1x49152xf32>
    %get3A_311 = vector.shape_cast %get3A_310 : vector<1x49152xf32> to vector<49152xf32>
    %mul3A_312 = vector.broadcast %get3A_303 : f32 to vector<49152xf32>
    %mul3A_313 = arith.mulf %mul3A_312, %get3A_311 : vector<49152xf32>
    %get3A_314 = arith.constant 10 : index
    %get3A_315 = arith.constant 0 : index
    %get3A_316 = vector.load %arg4[%get3A_314, %get3A_315] : memref<16x49152xf32, #tpu.memory_space<vmem>>, vector<1x49152xf32>
    %get3A_317 = vector.shape_cast %get3A_316 : vector<1x49152xf32> to vector<49152xf32>
    %mul3A_318 = vector.broadcast %get3A_307 : f32 to vector<49152xf32>
    %mul3A_319 = arith.mulf %mul3A_318, %get3A_317 : vector<49152xf32>
    %add3A_320 = arith.addf %mul3A_313, %mul3A_319 : vector<49152xf32>
    %swap3A_321 = arith.constant 10 : index
    %swap3A_322 = arith.constant 0 : index
    %swap3A_323 = vector.load %arg5[%swap3A_321, %swap3A_322] : memref<16x49152xf32, #tpu.memory_space<vmem>>, vector<1x49152xf32>
    %swap3A_324 = vector.shape_cast %swap3A_323 : vector<1x49152xf32> to vector<49152xf32>
    %swap3A_325 = vector.shape_cast %add3A_320 : vector<49152xf32> to vector<1x49152xf32>
    tpu.vector_store %arg5[%swap3A_321, %swap3A_322], %swap3A_325 {strides = array<i32>} : memref<16x49152xf32, #tpu.memory_space<vmem>>, vector<1x49152xf32>,
    %mul3A_326 = arith.constant 16 : i32
    %mul3A_327 = arith.muli %arg0, %mul3A_326 : i32
    %add3A_328 = arith.constant 11 : i32
    %add3A_329 = arith.addi %mul3A_327, %add3A_328 : i32
    %get3A_330 = arith.index_cast %add3A_329 : i32 to index
    %get3A_331 = memref.load %arg1[%get3A_330] : memref<256xi32, #tpu.memory_space<smem>>
    %get3A_332 = arith.index_cast %get3A_331 : i32 to index
    %get3A_333 = memref.load %arg2[%get3A_332] : memref<2000xf32, #tpu.memory_space<smem>>
    %add3A_334 = arith.constant 1000 : i32
    %add3A_335 = arith.addi %add3A_334, %get3A_331 : i32
    %get3A_336 = arith.index_cast %add3A_335 : i32 to index
    %get3A_337 = memref.load %arg2[%get3A_336] : memref<2000xf32, #tpu.memory_space<smem>>
    %get3A_338 = arith.constant 11 : index
    %get3A_339 = arith.constant 0 : index
    %get3A_340 = vector.load %arg3[%get3A_338, %get3A_339] : memref<16x49152xf32, #tpu.memory_space<vmem>>, vector<1x49152xf32>
    %get3A_341 = vector.shape_cast %get3A_340 : vector<1x49152xf32> to vector<49152xf32>
    %mul3A_342 = vector.broadcast %get3A_333 : f32 to vector<49152xf32>
    %mul3A_343 = arith.mulf %mul3A_342, %get3A_341 : vector<49152xf32>
    %get3A_344 = arith.constant 11 : index
    %get3A_345 = arith.constant 0 : index
    %get3A_346 = vector.load %arg4[%get3A_344, %get3A_345] : memref<16x49152xf32, #tpu.memory_space<vmem>>, vector<1x49152xf32>
    %get3A_347 = vector.shape_cast %get3A_346 : vector<1x49152xf32> to vector<49152xf32>
    %mul3A_348 = vector.broadcast %get3A_337 : f32 to vector<49152xf32>
    %mul3A_349 = arith.mulf %mul3A_348, %get3A_347 : vector<49152xf32>
    %add3A_350 = arith.addf %mul3A_343, %mul3A_349 : vector<49152xf32>
    %swap3A_351 = arith.constant 11 : index
    %swap3A_352 = arith.constant 0 : index
    %swap3A_353 = vector.load %arg5[%swap3A_351, %swap3A_352] : memref<16x49152xf32, #tpu.memory_space<vmem>>, vector<1x49152xf32>
    %swap3A_354 = vector.shape_cast %swap3A_353 : vector<1x49152xf32> to vector<49152xf32>
    %swap3A_355 = vector.shape_cast %add3A_350 : vector<49152xf32> to vector<1x49152xf32>
    tpu.vector_store %arg5[%swap3A_351, %swap3A_352], %swap3A_355 {strides = array<i32>} : memref<16x49152xf32, #tpu.memory_space<vmem>>, vector<1x49152xf32>,
    %mul3A_356 = arith.constant 16 : i32
    %mul3A_357 = arith.muli %arg0, %mul3A_356 : i32
    %add3A_358 = arith.constant 12 : i32
    %add3A_359 = arith.addi %mul3A_357, %add3A_358 : i32
    %get3A_360 = arith.index_cast %add3A_359 : i32 to index
    %get3A_361 = memref.load %arg1[%get3A_360] : memref<256xi32, #tpu.memory_space<smem>>
    %get3A_362 = arith.index_cast %get3A_361 : i32 to index
    %get3A_363 = memref.load %arg2[%get3A_362] : memref<2000xf32, #tpu.memory_space<smem>>
    %add3A_364 = arith.constant 1000 : i32
    %add3A_365 = arith.addi %add3A_364, %get3A_361 : i32
    %get3A_366 = arith.index_cast %add3A_365 : i32 to index
    %get3A_367 = memref.load %arg2[%get3A_366] : memref<2000xf32, #tpu.memory_space<smem>>
    %get3A_368 = arith.constant 12 : index
    %get3A_369 = arith.constant 0 : index
    %get3A_370 = vector.load %arg3[%get3A_368, %get3A_369] : memref<16x49152xf32, #tpu.memory_space<vmem>>, vector<1x49152xf32>
    %get3A_371 = vector.shape_cast %get3A_370 : vector<1x49152xf32> to vector<49152xf32>
    %mul3A_372 = vector.broadcast %get3A_363 : f32 to vector<49152xf32>
    %mul3A_373 = arith.mulf %mul3A_372, %get3A_371 : vector<49152xf32>
    %get3A_374 = arith.constant 12 : index
    %get3A_375 = arith.constant 0 : index
    %get3A_376 = vector.load %arg4[%get3A_374, %get3A_375] : memref<16x49152xf32, #tpu.memory_space<vmem>>, vector<1x49152xf32>
    %get3A_377 = vector.shape_cast %get3A_376 : vector<1x49152xf32> to vector<49152xf32>
    %mul3A_378 = vector.broadcast %get3A_367 : f32 to vector<49152xf32>
    %mul3A_379 = arith.mulf %mul3A_378, %get3A_377 : vector<49152xf32>
    %add3A_380 = arith.addf %mul3A_373, %mul3A_379 : vector<49152xf32>
    %swap3A_381 = arith.constant 12 : index
    %swap3A_382 = arith.constant 0 : index
    %swap3A_383 = vector.load %arg5[%swap3A_381, %swap3A_382] : memref<16x49152xf32, #tpu.memory_space<vmem>>, vector<1x49152xf32>
    %swap3A_384 = vector.shape_cast %swap3A_383 : vector<1x49152xf32> to vector<49152xf32>
    %swap3A_385 = vector.shape_cast %add3A_380 : vector<49152xf32> to vector<1x49152xf32>
    tpu.vector_store %arg5[%swap3A_381, %swap3A_382], %swap3A_385 {strides = array<i32>} : memref<16x49152xf32, #tpu.memory_space<vmem>>, vector<1x49152xf32>,
    %mul3A_386 = arith.constant 16 : i32
    %mul3A_387 = arith.muli %arg0, %mul3A_386 : i32
    %add3A_388 = arith.constant 13 : i32
    %add3A_389 = arith.addi %mul3A_387, %add3A_388 : i32
    %get3A_390 = arith.index_cast %add3A_389 : i32 to index
    %get3A_391 = memref.load %arg1[%get3A_390] : memref<256xi32, #tpu.memory_space<smem>>
    %get3A_392 = arith.index_cast %get3A_391 : i32 to index
    %get3A_393 = memref.load %arg2[%get3A_392] : memref<2000xf32, #tpu.memory_space<smem>>
    %add3A_394 = arith.constant 1000 : i32
    %add3A_395 = arith.addi %add3A_394, %get3A_391 : i32
    %get3A_396 = arith.index_cast %add3A_395 : i32 to index
    %get3A_397 = memref.load %arg2[%get3A_396] : memref<2000xf32, #tpu.memory_space<smem>>
    %get3A_398 = arith.constant 13 : index
    %get3A_399 = arith.constant 0 : index
    %get3A_400 = vector.load %arg3[%get3A_398, %get3A_399] : memref<16x49152xf32, #tpu.memory_space<vmem>>, vector<1x49152xf32>
    %get3A_401 = vector.shape_cast %get3A_400 : vector<1x49152xf32> to vector<49152xf32>
    %mul3A_402 = vector.broadcast %get3A_393 : f32 to vector<49152xf32>
    %mul3A_403 = arith.mulf %mul3A_402, %get3A_401 : vector<49152xf32>
    %get3A_404 = arith.constant 13 : index
    %get3A_405 = arith.constant 0 : index
    %get3A_406 = vector.load %arg4[%get3A_404, %get3A_405] : memref<16x49152xf32, #tpu.memory_space<vmem>>, vector<1x49152xf32>
    %get3A_407 = vector.shape_cast %get3A_406 : vector<1x49152xf32> to vector<49152xf32>
    %mul3A_408 = vector.broadcast %get3A_397 : f32 to vector<49152xf32>
    %mul3A_409 = arith.mulf %mul3A_408, %get3A_407 : vector<49152xf32>
    %add3A_410 = arith.addf %mul3A_403, %mul3A_409 : vector<49152xf32>
    %swap3A_411 = arith.constant 13 : index
    %swap3A_412 = arith.constant 0 : index
    %swap3A_413 = vector.load %arg5[%swap3A_411, %swap3A_412] : memref<16x49152xf32, #tpu.memory_space<vmem>>, vector<1x49152xf32>
    %swap3A_414 = vector.shape_cast %swap3A_413 : vector<1x49152xf32> to vector<49152xf32>
    %swap3A_415 = vector.shape_cast %add3A_410 : vector<49152xf32> to vector<1x49152xf32>
    tpu.vector_store %arg5[%swap3A_411, %swap3A_412], %swap3A_415 {strides = array<i32>} : memref<16x49152xf32, #tpu.memory_space<vmem>>, vector<1x49152xf32>,
    %mul3A_416 = arith.constant 16 : i32
    %mul3A_417 = arith.muli %arg0, %mul3A_416 : i32
    %add3A_418 = arith.constant 14 : i32
    %add3A_419 = arith.addi %mul3A_417, %add3A_418 : i32
    %get3A_420 = arith.index_cast %add3A_419 : i32 to index
    %get3A_421 = memref.load %arg1[%get3A_420] : memref<256xi32, #tpu.memory_space<smem>>
    %get3A_422 = arith.index_cast %get3A_421 : i32 to index
    %get3A_423 = memref.load %arg2[%get3A_422] : memref<2000xf32, #tpu.memory_space<smem>>
    %add3A_424 = arith.constant 1000 : i32
    %add3A_425 = arith.addi %add3A_424, %get3A_421 : i32
    %get3A_426 = arith.index_cast %add3A_425 : i32 to index
    %get3A_427 = memref.load %arg2[%get3A_426] : memref<2000xf32, #tpu.memory_space<smem>>
    %get3A_428 = arith.constant 14 : index
    %get3A_429 = arith.constant 0 : index
    %get3A_430 = vector.load %arg3[%get3A_428, %get3A_429] : memref<16x49152xf32, #tpu.memory_space<vmem>>, vector<1x49152xf32>
    %get3A_431 = vector.shape_cast %get3A_430 : vector<1x49152xf32> to vector<49152xf32>
    %mul3A_432 = vector.broadcast %get3A_423 : f32 to vector<49152xf32>
    %mul3A_433 = arith.mulf %mul3A_432, %get3A_431 : vector<49152xf32>
    %get3A_434 = arith.constant 14 : index
    %get3A_435 = arith.constant 0 : index
    %get3A_436 = vector.load %arg4[%get3A_434, %get3A_435] : memref<16x49152xf32, #tpu.memory_space<vmem>>, vector<1x49152xf32>
    %get3A_437 = vector.shape_cast %get3A_436 : vector<1x49152xf32> to vector<49152xf32>
    %mul3A_438 = vector.broadcast %get3A_427 : f32 to vector<49152xf32>
    %mul3A_439 = arith.mulf %mul3A_438, %get3A_437 : vector<49152xf32>
    %add3A_440 = arith.addf %mul3A_433, %mul3A_439 : vector<49152xf32>
    %swap3A_441 = arith.constant 14 : index
    %swap3A_442 = arith.constant 0 : index
    %swap3A_443 = vector.load %arg5[%swap3A_441, %swap3A_442] : memref<16x49152xf32, #tpu.memory_space<vmem>>, vector<1x49152xf32>
    %swap3A_444 = vector.shape_cast %swap3A_443 : vector<1x49152xf32> to vector<49152xf32>
    %swap3A_445 = vector.shape_cast %add3A_440 : vector<49152xf32> to vector<1x49152xf32>
    tpu.vector_store %arg5[%swap3A_441, %swap3A_442], %swap3A_445 {strides = array<i32>} : memref<16x49152xf32, #tpu.memory_space<vmem>>, vector<1x49152xf32>,
    %mul3A_446 = arith.constant 16 : i32
    %mul3A_447 = arith.muli %arg0, %mul3A_446 : i32
    %add3A_448 = arith.constant 15 : i32
    %add3A_449 = arith.addi %mul3A_447, %add3A_448 : i32
    %get3A_450 = arith.index_cast %add3A_449 : i32 to index
    %get3A_451 = memref.load %arg1[%get3A_450] : memref<256xi32, #tpu.memory_space<smem>>
    %get3A_452 = arith.index_cast %get3A_451 : i32 to index
    %get3A_453 = memref.load %arg2[%get3A_452] : memref<2000xf32, #tpu.memory_space<smem>>
    %add3A_454 = arith.constant 1000 : i32
    %add3A_455 = arith.addi %add3A_454, %get3A_451 : i32
    %get3A_456 = arith.index_cast %add3A_455 : i32 to index
    %get3A_457 = memref.load %arg2[%get3A_456] : memref<2000xf32, #tpu.memory_space<smem>>
    %get3A_458 = arith.constant 15 : index
    %get3A_459 = arith.constant 0 : index
    %get3A_460 = vector.load %arg3[%get3A_458, %get3A_459] : memref<16x49152xf32, #tpu.memory_space<vmem>>, vector<1x49152xf32>
    %get3A_461 = vector.shape_cast %get3A_460 : vector<1x49152xf32> to vector<49152xf32>
    %mul3A_462 = vector.broadcast %get3A_453 : f32 to vector<49152xf32>
    %mul3A_463 = arith.mulf %mul3A_462, %get3A_461 : vector<49152xf32>
    %get3A_464 = arith.constant 15 : index
    %get3A_465 = arith.constant 0 : index
    %get3A_466 = vector.load %arg4[%get3A_464, %get3A_465] : memref<16x49152xf32, #tpu.memory_space<vmem>>, vector<1x49152xf32>
    %get3A_467 = vector.shape_cast %get3A_466 : vector<1x49152xf32> to vector<49152xf32>
    %mul3A_468 = vector.broadcast %get3A_457 : f32 to vector<49152xf32>
    %mul3A_469 = arith.mulf %mul3A_468, %get3A_467 : vector<49152xf32>
    %add3A_470 = arith.addf %mul3A_463, %mul3A_469 : vector<49152xf32>
    %swap3A_471 = arith.constant 15 : index
    %swap3A_472 = arith.constant 0 : index
    %swap3A_473 = vector.load %arg5[%swap3A_471, %swap3A_472] : memref<16x49152xf32, #tpu.memory_space<vmem>>, vector<1x49152xf32>
    %swap3A_474 = vector.shape_cast %swap3A_473 : vector<1x49152xf32> to vector<49152xf32>
    %swap3A_475 = vector.shape_cast %add3A_470 : vector<49152xf32> to vector<1x49152xf32>
    tpu.vector_store %arg5[%swap3A_471, %swap3A_472], %swap3A_475 {strides = array<i32>} : memref<16x49152xf32, #tpu.memory_space<vmem>>, vector<1x49152xf32>,
    return
  }
  func.func @transform_0(%arg0: i32, %arg1: memref<256xi32, #tpu.memory_space<smem>>, %arg2: memref<2000xf32, #tpu.memory_space<smem>>) -> (i32, i32) {
    %c0_i32 = arith.constant 0 : i32
    %c0_i32_0 = arith.constant 0 : i32
    return %arg0, %c0_i32 : i32, i32
  }
  func.func @transform_1(%arg0: i32, %arg1: memref<256xi32, #tpu.memory_space<smem>>, %arg2: memref<2000xf32, #tpu.memory_space<smem>>) -> (i32, i32) {
    %c0_i32 = arith.constant 0 : i32
    %c0_i32_0 = arith.constant 0 : i32
    return %arg0, %c0_i32 : i32, i32
  }
  func.func @transform_2(%arg0: i32, %arg1: memref<256xi32, #tpu.memory_space<smem>>, %arg2: memref<2000xf32, #tpu.memory_space<smem>>) -> (i32, i32) {
    %c0_i32 = arith.constant 0 : i32
    %c0_i32_0 = arith.constant 0 : i32
    return %arg0, %c0_i32 : i32, i32
  }
}

</mosaic_0001>

<sc_bundles>
// kernel: sparse-core-data-format-call.cloned.1.call-start
scs
called_computation_lowered:
.L_overlay_start_0:
0x0: {  	s2 =	sld [smem:$0x3FD9]  }
0x1: {  	s3 =	sld [smem:$0x3FFE];
	_ =	sdelay $0x1  }
0x2: {  	s1 =	srdreg.scid  }
0x3: {  	s0 =	sand.u32 $0x1, s1  }
0x4: {  	s18 =	sshll.u32 s0, $0xA;
	s2 =	sadd.s32 s3, s2  }
0x5: {  	s2 =	sadd.s32 s2, s18  }
0x6: {  	[smem:$0x3FC5] =	sst s2  }
0x7: {  	_ = 	snop  }
0x8: {  	s2 =	sld [smem:$0x3FD0];
	(tm) =	ssettm $0x1  }
0x9: {  	s19 =	sld [smem:$0x3FFB];
	_ =	sdelay $0x3  }
0xa: {  	_ =	strace s19  }
0xb: {  	s3 =	sld [smem:$0x3FFC];
	_ =	sdelay $0x3  }
0xc: {  	_ =	strace s3  }
0xd: {  	s3 =	sld [smem:$0x3FFD];
	_ =	sdelay $0x3  }
0xe: {  	_ =	strace s3  }
0xf: {  	_ =	strace $0x8FFFFFFF  }
0x10: {  	s20 =	sld [smem:$0x3FDB];
	_ =	sdelay $0x1  }
0x11: {  	s4 =	simm.s32 $_scs_section_size  }
0x12: {  	s5 =	simm.s32 $_size__tile_overlayer_lowered;
	s6 =	simm.s32 $_tile_overlayer_lowered  }
0x13: {  	s23 =	simm.s32 $0x1BFF;
	s22 =	sshll.u32 s6, $0x1;
	s3 =	sadd.s32 s4, s20  }
0x14: {  	s7 =	simm.s32 $0x0;
	s21 =	sshll.u32 s5, $0x1;
	s5 =	sadd.s32 s22, s3  }
0x15: {  	[timem:s7], [sflag:s23] =	dma.local [hbm:s5], s21  }
0x16: {  	_ =	swait.ge [sflag:s23], s21  }
0x17: {  	s4 =	ssub.s32 $0x0, s21;
	[sflag:s23] =	ssyncset.done $0x0  }
0x18: {  	[sflag:s23] =	ssyncadd.s32 s4;
	_ =	sdelay $0x1  }
0x19: {  	s24 =	simm.s32 $0x1B8B  }
0x1a: {  	_ =	swait.ge [sflag:s24], $0x1  }
0x1b: {  	[sflag:s24] =	ssyncset.done $0x0  }
0x1c: {  	s26 =	simm.s32 $0x1B8E;
	s25 =	sld [smem:$0x3FFE];
	[sflag:s24] =	ssyncadd.s32 $0xFFFFFFFF  }
0x1d: {  	s27 =	simm.s32 $execute0_lowered;
	[smem:$0x3FD2] =	sst s26  }
0x1e: {  	s5 =	sshll.u32 s27, $0x1;
	_ =	strace $0x80000046;
	[dreg:$0x1] =	wrdreg $0xFFFFFFFF  }
0x1f: {  	s28 =	simm.s32 $_size_execute0_lowered;
	s3 =	sadd.s32 s3, s5;
	[dreg:$0x0] =	wrdreg $0x0  }
0x20: {  	s5 =	sshll.u32 s28, $0x1;
	[dreg:$0x2] =	wrdreg s3  }
0x21: {  	[dreg:$0x3] =	wrdreg s5  }
0x22: {  	[dreg:$0x4] =	wrdreg $0xC0  }
0x23: {  	_ =	task [dreg:s7], $0x5FFFF  }
0x24: {  	[dreg:$0x1] =	wrdreg $0xFFFFFFFF  }
0x25: {  	[dreg:$0x0] =	wrdreg $0x60  }
0x26: {  	[dreg:$0x2] =	wrdreg s25  }
0x27: {  	[dreg:$0x3] =	wrdreg s2  }
0x28: {  	[dreg:$0x4] =	wrdreg $0x9  }
0x29: {  	_ =	task.clear_ibuf [dreg:s7], $0x5FFFF;
	_ =	strace $0x90000046  }
0x2a: {  	s29 =	simm.s32 $0x9;
	_ =	strace $0x80000048  }
0x2b: {  	_ =	swait.ge [sflag:s29], $0x1  }
0x2c: {  	[sflag:s29] =	ssyncadd.s32 $0xFFFFFFFF  }
0x2d: {  	_ =	strace $0x90000048  }
0x2e: {  	_ =	sfence  }
0x2f: {  	s30 =	sld [smem:$0x0];
	_ =	sdelay $0x2  }
0x30: {  	s31 =	sshll.u32 s1, $0xD;
	s1 =	sshrl.u32 s1, $0x2  }
0x31: {  	s3 =	sand.u32 $0x4000, s31;
	s1 =	sadd.s32 s1, s30  }
0x32: {  	s0 =	sor.u32 s3, s0;
	s1 =	sshll.u32 s1, $0x11  }
0x33: {  	s0 =	sor.u32 s1, s0  }
0x34: {  	s0 =	sadd.s32 $0x8F2B, s0  }
0x35: {  	[sflag:s0] =	ssyncadd.remote.s32 $0x1  }
0x36: {  	_ =	sfence.sel $0xFFFF  }
0x37: {  	[dreg:$0x0] =	wrdreg $0xFFFFFFFF;
	(pc) =	sbr.abs _section_cstart, $3  }
0x38: {  	[dreg:$0x1] =	wrdreg $0xFFFFFFFF  }
0x39: {  	_ =	task.clear_ibuf [dreg:s7], $0x2FFFF;
	_ =	strace $0x9FFFFFFF  }
0x3a: {  	(tm) =	ssettm $0x7FFFFFFF  }
0x3b: {  	_ =	shalt  }
tec
execute0_lowered:
.L_overlay_start_1:
0x0: {  	(tag) =	ssettag $0x1  }
0x1: {  	s1 =	rddreg [dreg:$0x0]  }
0x2: {  	s2 =	rddreg [dreg:$0x1]  }
0x3: {  	s0 =	rddreg [dreg:$0x2];
	_ =	strace $0x80000047;
	s4 =	srdreg.scid  }
0x4: {  	s6 =	simm.s32 $0x2;
	s11 =	simm.s32 $0x0;
	p0 =	por $0x0, $0x0  }
.Ltmp0:
0x5: {  	s7 =	simm.s32 $0xC000;
	s12 =	simm.s32 $0x0;
	(pc) =	sbr.rel .LBB1_1-.Ltmp0, $4  }
0x6: {  	s9 =	simm.s32 $0x0;
	s3 =	sadd.s32 $0x180A00, s1;
	s5 =	sshll.u32 s4, $0x4  }
0x7: {  	s1 =	stileid.u32;
	s4 =	simm.s32 $0x1;
	s5 =	sand.u32 $0x10, s5  }
0x8: {  	s8 =	simm.s32 $0x0;
	[sflag:s4] =	ssyncpa.u1 $0x0;
	s5 =	sor.u32 s1, s5  }
0x9: {  	[sflag:s6] =	ssyncpa.u1 $0x0;
	s6 =	simm.s32 $0x800;
	s10 =	smov.u32 s5  }
.LBB1_7:
0xa: {  	s13 =	sadd.s32 $0x10, s9  }
0xb: {  	s11 =	sadd.s32 $0x20, s10;
	s15 =	smov.u32 s10;
	p2 =	sgt.s32 s13, $0x17F  }
0xc: {  	p1 =	slt.u32 s8, $0x2;
	s15 =	smov.u32 @p2 s11  }
0xd: {  	s8 =	sadd.s32 $0x1, s8;
	s13 =	simm.s32 @p2 $0x0;
	p2 =	sgt.s32 s15, $0x1F  }
0xe: {  	s15 =	smov.u32 @p2 s5;
	p2 =	sne.s32 s8, $0x1A  }
.Ltmp1:
0xf: {  	_ = 	snop;
	(pc) =	sbr.rel @!p2 .LBB1_8-.Ltmp1, $4  }
0x10: {  	s14 =	simm.s32 @!p1 $0x2  }
0x11: {  	s12 =	smov.u32 s10;
	_ =	swait.ge @!p1 [sflag:s14], $0x4000  }
0x12: {  	p0 =	por !p0, !p0;
	s11 =	smov.u32 s9;
	[sflag:s14] =	ssyncset.done @!p1 $0x0  }
0x13: {  	s9 =	smov.u32 s13;
	[sflag:s14] =	ssyncadd.s32 @!p1 $0xFFFFC000;
	s10 =	smov.u32 s15  }
.LBB1_1:
0x14: {  	p1 =	sgt.u32 s8, $0x17  }
0x15: {  	s13 =	smul.u32 @!p1 $0xC000, s10  }
0x16: {  	s14 =	sxor.u32 @!p1 $0xFFFFFFFF, s8  }
0x17: {  	s15 =	sshll.u32 @!p1 s9, $0x7;
	s14 =	sshll.u32 @!p1 s14, $0xE;
	s13 =	sadd.s32 @!p1 s3, s13  }
0x18: {  	s14 =	sand.u32 @!p1 $0x4000, s14;
	s13 =	sadd.s32 @!p1 s15, s13;
	s15 =	simm.s32 @!p1 $0x0  }
0x19: {  	[tilespmem:s14], [sflag:$0x1] =	stream.linear.gather @!p1 [hbm4b:s13+s15], $0x4000, $0x38;
	[tilespmem:$0x10000] =	vst v63  }
0x1a: {  	p1 =	seq.s32 s8, $0x0  }
0x1b: {  	p2 =	seq.s32 @!p1 s8, $0x19  }
0x1c: {  	p1 =	por p1, p2  }
.Ltmp2:
0x1d: {  	_ = 	snop;
	(pc) =	sbr.rel @p1 .LBB1_7-.Ltmp2, $1  }
0x1e: {  	_ =	sdelay $0x3  }
0x1f: {  	s13 =	simm.s32 $0x1;
	_ =	swait.ge [sflag:s4], $0x4000;
	s16 =	sshll.u32 s8, $0xE  }
0x20: {  	s13 =	simm.s32 @!p0 $0x0;
	[sflag:s4] =	ssyncset.done $0x0;
	s31 =	sand.u32 $0x4000, s16  }
0x21: {  	s16 =	simm.s32 $0x0;
	s13 =	sshll.u32 s13, $0xE;
	[sflag:s4] =	ssyncadd.s32 $0xFFFFC000  }
0x22: {  	s14 =	sor.u32 $0x8040, s13;
	s15 =	sor.u32 $0x40, s13;
	s13 =	sor.u32 $0x8000, s31  }
.LBB1_3:
0x23: {  	v0 =	vmov s15;
	_ =	sdelay $0x3  }
0x24: {  	s18 =	simm.s32 $0x0  }
0x25: {  	v6 =	vld.idx.msk [tilespmem:v0+s18+$0x30 ss:$0x1], $0xffff  }
0x26: {  	v7 =	vld.idx.msk [tilespmem:v0+s18+$0xFFFFFFC0 ss:$0x1], $0xffff  }
0x27: {  	v5 =	vld.idx.msk [tilespmem:v0+s18+$0xFFFFFFD0 ss:$0x1], $0xffff  }
0x28: {  	v4 =	vld.idx.msk [tilespmem:v0+s18+$0xFFFFFFE0 ss:$0x1], $0xffff  }
0x29: {  	v3 =	vld.idx.msk [tilespmem:v0+s18+$0xFFFFFFF0 ss:$0x1], $0xffff  }
0x2a: {  	v1 =	vld.idx.msk [tilespmem:v0+s18+$0x0 ss:$0x1], $0xffff  }
0x2b: {  	v2 =	vld.idx.msk [tilespmem:v0+s18+$0x10 ss:$0x1], $0xffff;
	[tilespmem:s14+$0x30] =	vst v6  }
0x2c: {  	s17 =	simm.s32 $0x80;
	s19 =	simm.s32 $0x400;
	[tilespmem:s14+$0xFFFFFFC0] =	vst v7;
	v6 =	vld.idx.msk [tilespmem:v0+s18+$0x20 ss:$0x1], $0xffff;
	s18 =	smov.u32 s14  }
.LBB1_4:
0x2d: {  	p1 =	sne.s32 s19, $0xE00;
	v7 =	vld.idx.msk [tilespmem:v0+s17+$0x30 ss:$0x1], $0xffff;
	[tilespmem:s18+$0xFFFFFFD0] =	vst v5  }
0x2e: {  	v8 =	vld.idx.msk [tilespmem:v0+s17+$0xFFFFFFC0 ss:$0x1], $0xffff;
	[tilespmem:s18+$0xFFFFFFE0] =	vst v4  }
0x2f: {  	v5 =	vld.idx.msk [tilespmem:v0+s17+$0xFFFFFFD0 ss:$0x1], $0xffff;
	[tilespmem:s18+$0xFFFFFFF0] =	vst v3  }
.Ltmp3:
0x30: {  	v4 =	vld.idx.msk [tilespmem:v0+s17+$0xFFFFFFE0 ss:$0x1], $0xffff;
	[tilespmem:s18+$0x0] =	vst v1;
	(pc) =	sbr.rel @p1 .LBB1_4-.Ltmp3, $4  }
0x31: {  	v3 =	vld.idx.msk [tilespmem:v0+s17+$0xFFFFFFF0 ss:$0x1], $0xffff;
	[tilespmem:s18+$0x10] =	vst v2  }
0x32: {  	v1 =	vld.idx.msk [tilespmem:v0+s17+$0x0 ss:$0x1], $0xffff;
	[tilespmem:s18+$0x20] =	vst v6;
	s18 =	sadd.s32 $0x800, s18  }
0x33: {  	v2 =	vld.idx.msk [tilespmem:v0+s17+$0x10 ss:$0x1], $0xffff;
	[tilespmem:s18+$0x30] =	vst v7  }
0x34: {  	[tilespmem:s18+$0xFFFFFFC0] =	vst v8;
	v6 =	vld.idx.msk [tilespmem:v0+s17+$0x20 ss:$0x1], $0xffff;
	s17 =	sshra.s32 s19, $0x2;
	s19 =	sadd.s32 $0x200, s19  }
0x35: {  	_ =	sdelay $0x2  }
0x36: {  	[tilespmem:s18+$0xFFFFFFD0] =	vst v5  }
0x37: {  	v56 =	vld.idx.msk [tilespmem:v0+s17+$0x30 ss:$0x1], $0xffff;
	[tilespmem:s18+$0xFFFFFFE0] =	vst v4  }
0x38: {  	v57 =	vld.idx.msk [tilespmem:v0+s17+$0xFFFFFFC0 ss:$0x1], $0xffff;
	[tilespmem:s18+$0xFFFFFFF0] =	vst v3  }
0x39: {  	v58 =	vld.idx.msk [tilespmem:v0+s17+$0xFFFFFFD0 ss:$0x1], $0xffff;
	[tilespmem:s18+$0x0] =	vst v1  }
0x3a: {  	v59 =	vld.idx.msk [tilespmem:v0+s17+$0xFFFFFFE0 ss:$0x1], $0xffff;
	[tilespmem:s18+$0x10] =	vst v2  }
0x3b: {  	v60 =	vld.idx.msk [tilespmem:v0+s17+$0xFFFFFFF0 ss:$0x1], $0xffff;
	s31 =	sadd.s32 $0x800, s18;
	[tilespmem:s18+$0x20] =	vst v6  }
0x3c: {  	v61 =	vld.idx.msk [tilespmem:v0+s17+$0x0 ss:$0x1], $0xffff;
	[tilespmem:s31+$0x30] =	vst v56  }
0x3d: {  	v62 =	vld.idx.msk [tilespmem:v0+s17+$0x10 ss:$0x1], $0xffff;
	s16 =	sadd.s32 $0x1, s16;
	[tilespmem:s31+$0xFFFFFFC0] =	vst v57  }
0x3e: {  	v63 =	vld.idx.msk [tilespmem:v0+s17+$0x20 ss:$0x1], $0xffff;
	p1 =	sne.s32 s16, $0x10;
	[tilespmem:s31+$0xFFFFFFD0] =	vst v58  }
.Ltmp4:
0x3f: {  	[tilespmem:s31+$0xFFFFFFE0] =	vst v59;
	(pc) =	sbr.rel @p1 .LBB1_3-.Ltmp4, $4  }
0x40: {  	[tilespmem:s31+$0xFFFFFFF0] =	vst v60  }
0x41: {  	[tilespmem:s31+$0x0] =	vst v61  }
0x42: {  	[tilespmem:s31+$0x10] =	vst v62  }
0x43: {  	s14 =	sadd.s32 $0x80, s14;
	s15 =	sadd.s32 $0x400, s15;
	[tilespmem:s31+$0x20] =	vst v63  }
0x44: {  	s11 =	sand.u32 $0x1FFFFFF, s11  }
0x45: {  	s14 =	smulhi.u32 $0xAAAAAB, s11  }
0x46: {  	s12 =	smul.u32 $0xC000, s12  }
0x47: {  	s14 =	smul.u32 $0x180, s14  }
.Ltmp5:
0x48: {  	_ = 	snop;
	(pc) =	sbr.rel .LBB1_7-.Ltmp5, $4  }
0x49: {  	s11 =	ssub.s32 s11, s14  }
0x4a: {  	s12 =	sadd.s32 s2, s12;
	s11 =	sshll.u32 s11, $0x4  }
0x4b: {  	s11 =	sadd.s32 s11, s12  }
0x4c: {  	[hbm4b:s11+s6] =	stream.strided.scatter [tilespmem:s13], [sflag:$0x2], $0x4000, s7, s6, $0x38;
	[tilespmem:$0x10000] =	vst v63  }
.LBB1_8:
0x4d: {  	_ =	sfence.sel $0x180000  }
0x4e: {  	s2 =	simm.s32 $0x1;
	[bflag:$0x0] =	sbarrier.arrive $0xFFFF  }
0x4f: {  	s31 =	simm.s32 $0x2;
	[sflag:s2] =	ssyncpa.u1 $0x1  }
0x50: {  	[sflag:s31] =	ssyncpa.u1 $0x1  }
0x51: {  	p0 =	sne.s32 s1, $0x0;
	_ =	strace $0x90000047  }
0x52: {  	s0 =	sadd.s32 @!p0 $0x100000, s0;
	[bflag:$0x2] =	sbarrier.arrive $0xFFFF  }
0x53: {  	[sflag:s0] =	ssyncadd.tile.s32 @!p0 $0x1;
	_ =	shalt  }
.Lfunc_end1:
_tile_overlayer_lowered:
.L_overlay_start_2:
0x54: {  	(tag) =	ssettag $0x2  }
0x55: {  	s0 =	rddreg [dreg:$0x0];
	s2 =	stileid.u32  }
0x56: {  	s1 =	rddreg [dreg:$0x1];
	p0 =	sne.s32 s2, $0x0  }
0x57: {  	s3 =	rddreg [dreg:$0x2];
	[bflag:$0x3] =	sbarrier.arrive $0xFFFF;
	s2 =	simm.s32 @!p0 $0x1C01  }
0x58: {  	[timem:s3], [sflag:s2] =	dma.local @!p0 [hbm:s0], s1  }
0x59: {  	s0 =	simm.s32 @!p0 $0x1  }
0x5a: {  	_ =	swait.ge @!p0 [sflag:s0], s1  }
0x5b: {  	s1 =	ssub.s32 @!p0 $0x0, s1;
	[sflag:s0] =	ssyncset.done @!p0 $0x0  }
0x5c: {  	[sflag:s0] =	ssyncadd.s32 @!p0 s1  }
0x5d: {  	[bflag:$0x3] =	sbarrier.arrive $0xFFFF  }
0x5e: {  	_ =	shalt  }

</sc_bundles>
